<compile_context>
chip_gen: v7x
topology: tpu7x:2x2x1
jax: 0.10.2.dev20260603
libtpu: 0.0.44.dev20260713+nightly
codegen_flags: <defaults>
</compile_context>

<pallas_src>
import functools

import jax
import jax.numpy as jnp
from jax.experimental import pallas as pl
from jax.experimental.pallas import tpu as pltpu

K = 2


def _moe_body(eid_ref, rs_ref, nv_ref, tok_ref, p_ref,
              xf_ref, w1_ref, w3_ref, w2_ref, out_ref,
              xs_ref, acc_ref, *, nh):
    w = pl.program_id(0)
    h = pl.program_id(1)

    @pl.when(jnp.logical_and(w == 0, h == 0))
    def _():
        out_ref[...] = jnp.zeros_like(out_ref)

    nv = nv_ref[w]
    rs = rs_ref[w]

    @pl.when(nv > 0)
    def _():
        @pl.when(h == 0)
        def _():
            def gather_row(i, carry):
                t = tok_ref[rs + i]
                xs_ref[pl.ds(i, 1), :] = xf_ref[pl.ds(t, 1), :]
                return carry
            jax.lax.fori_loop(0, nv, gather_row, 0)

        xb = xs_ref[...].astype(jnp.bfloat16)
        w1b = w1_ref[0].astype(jnp.bfloat16)
        w3b = w3_ref[0].astype(jnp.bfloat16)
        w2b = w2_ref[0].astype(jnp.bfloat16)
        g = jnp.dot(xb, w1b, preferred_element_type=jnp.float32)
        u = jnp.dot(xb, w3b, preferred_element_type=jnp.float32)
        hh = (g * jax.nn.sigmoid(g) * u).astype(jnp.bfloat16)
        part = jnp.dot(hh, w2b, preferred_element_type=jnp.float32)

        @pl.when(h == 0)
        def _():
            acc_ref[...] = part

        @pl.when(h != 0)
        def _():
            acc_ref[...] += part

        @pl.when(h == nh - 1)
        def _():
            def scatter_row(i, carry):
                r = rs + i
                t = tok_ref[r]
                out_ref[pl.ds(t, 1), :] += p_ref[r] * acc_ref[pl.ds(i, 1), :]
                return carry
            jax.lax.fori_loop(0, nv, scatter_row, 0)


def kernel(x, gate_w, w1, w3, w2):
    b, s, d = x.shape
    e_num, _, hid = w1.shape
    t_num = b * s
    r_num = t_num * K
    xf = x.reshape(t_num, d)

    scores = xf @ gate_w.T
    expert_weights, expert_indices = jax.lax.top_k(scores, K)
    expert_weights = jax.nn.softmax(expert_weights, axis=-1)

    ef = expert_indices.reshape(-1).astype(jnp.int32)
    order = jnp.argsort(ef).astype(jnp.int32)
    tok = (order // K).astype(jnp.int32)
    p_sorted = expert_weights.reshape(-1)[order]
    counts = jnp.bincount(ef, length=e_num).astype(jnp.int32)
    starts = (jnp.cumsum(counts) - counts).astype(jnp.int32)

    tm = 512
    maxj = r_num // tm
    w_items = e_num + maxj - 1
    e_c = jnp.repeat(jnp.arange(e_num, dtype=jnp.int32), maxj)
    j_c = jnp.tile(jnp.arange(maxj, dtype=jnp.int32), e_num)
    cnt_c = counts[e_c]
    valid = cnt_c > j_c * tm
    ordc = jnp.argsort(jnp.logical_not(valid).astype(jnp.int32))[:w_items]
    v_w = valid[ordc]
    eidw = jnp.where(v_w, e_c[ordc], e_num - 1).astype(jnp.int32)
    rsw = jnp.where(v_w, starts[e_c[ordc]] + j_c[ordc] * tm, 0).astype(jnp.int32)
    nvw = jnp.clip(cnt_c[ordc] - j_c[ordc] * tm, 0, tm).astype(jnp.int32)

    nh = 4
    hb = hid // nh

    grid_spec = pltpu.PrefetchScalarGridSpec(
        num_scalar_prefetch=5,
        grid=(w_items, nh),
        in_specs=[
            pl.BlockSpec((t_num, d), lambda w, h, eid, rs, nv, tk, p: (0, 0)),
            pl.BlockSpec((1, d, hb), lambda w, h, eid, rs, nv, tk, p: (eid[w], 0, h)),
            pl.BlockSpec((1, d, hb), lambda w, h, eid, rs, nv, tk, p: (eid[w], 0, h)),
            pl.BlockSpec((1, hb, d), lambda w, h, eid, rs, nv, tk, p: (eid[w], h, 0)),
        ],
        out_specs=pl.BlockSpec((t_num, d), lambda w, h, eid, rs, nv, tk, p: (0, 0)),
        scratch_shapes=[
            pltpu.VMEM((tm, d), jnp.float32),
            pltpu.VMEM((tm, d), jnp.float32),
        ],
    )

    out = pl.pallas_call(
        functools.partial(_moe_body, nh=nh),
        grid_spec=grid_spec,
        out_shape=jax.ShapeDtypeStruct((t_num, d), jnp.float32),
        compiler_params=pltpu.CompilerParams(
            dimension_semantics=("arbitrary", "arbitrary"),
            vmem_limit_bytes=100 * 1024 * 1024,
        ),
    )(eidw, rsw, nvw, tok, p_sorted, xf, w1, w3, w2)

    return out.reshape(b, s, d)

# --- scband reference (transcript-rebuilt; emitter-appended) ---
"""Pipeline reference for scband-mo-e-1554778161721 (READ-ONLY COPY).

The authoritative reference and input builder live on the scoring server;
editing this copy changes nothing except your own understanding.
"""

import jax, jax.numpy as jnp
import numpy as np

B, S, DIM, HID, E, K = 1, 2048, 1024, 2048, 8, 2


def setup_inputs(seed: int = 0) -> dict:
    key = jax.random.key(seed)
    ks = jax.random.split(key, 5)
    x = jax.random.normal(ks[0], (B, S, DIM), dtype=jnp.float32)
    gate_w = jax.random.normal(ks[1], (E, DIM), dtype=jnp.float32) * (DIM ** -0.5)
    w1 = jax.random.normal(ks[2], (E, DIM, HID), dtype=jnp.float32) * 0.02
    w3 = jax.random.normal(ks[3], (E, DIM, HID), dtype=jnp.float32) * 0.02
    w2 = jax.random.normal(ks[4], (E, HID, DIM), dtype=jnp.float32) * 0.02
    return {"x": x, "gate_w": gate_w, "w1": w1, "w3": w3, "w2": w2}


def reference(x, gate_w, w1, w3, w2):
    b, s, d = x.shape
    xf = x.reshape(b * s, d)
    # gate: nn.Linear(dim, E, bias=False) -> scores [T, E]
    scores = xf @ gate_w.T
    expert_weights, expert_indices = jax.lax.top_k(scores, K)
    expert_weights = jax.nn.softmax(expert_weights, axis=-1)
    flat_idx = expert_indices.reshape(-1)
    # repeat_interleave tokens K times
    xr = jnp.repeat(xf, K, axis=0)
    out = jnp.zeros_like(xr)
    for e in range(E):
        mask = (flat_idx == e)[:, None]
        # SwiGLU expert: w2(silu(w1 x) * w3 x)
        h = jax.nn.silu(xr @ w1[e]) * (xr @ w3[e])
        ye = h @ w2[e]
        out = jnp.where(mask, ye, out)
    out = out.reshape(b * s, K, d) * expert_weights[..., None]
    out = out.sum(axis=1)
    return out.reshape(b, s, d)

if __name__ == "__main__":
    import jax
    _d = setup_inputs()
    print(jax.jit(kernel)(*tuple(_d.values())))

</pallas_src>

<mosaic_0001>
module attributes {stable_mosaic.version = 14 : i64} {
  func.func @_moe_body(%arg0: i32, %arg1: i32, %arg2: memref<15xi32, #tpu.memory_space<smem>>, %arg3: memref<15xi32, #tpu.memory_space<smem>>, %arg4: memref<15xi32, #tpu.memory_space<smem>>, %arg5: memref<4096xi32, #tpu.memory_space<smem>>, %arg6: memref<4096xf32, #tpu.memory_space<smem>>, %arg7: memref<2048x1024xf32, #tpu.memory_space<vmem>>, %arg8: memref<1x1024x512xf32, #tpu.memory_space<vmem>>, %arg9: memref<1x1024x512xf32, #tpu.memory_space<vmem>>, %arg10: memref<1x512x1024xf32, #tpu.memory_space<vmem>>, %arg11: memref<2048x1024xf32, #tpu.memory_space<vmem>>, %arg12: memref<512x1024xf32, #tpu.memory_space<vmem>>, %arg13: memref<512x1024xf32, #tpu.memory_space<vmem>>) attributes {dimension_semantics = [#tpu.dimension_semantics<arbitrary>, #tpu.dimension_semantics<arbitrary>], iteration_bounds = array<i64: 15, 4>, scalar_prefetch = 5 : i64, scratch_operands = 2 : i64, tpu.core_type = #tpu.core_type<tc>, window_params = [{pipeline_mode = #tpu.pipeline_mode<synchronous>, transform_indices = @transform_0, window_bounds = array<i64: 2048, 1024>}, {transform_indices = @transform_1, window_bounds = array<i64: 1, 1024, 512>}, {transform_indices = @transform_2, window_bounds = array<i64: 1, 1024, 512>}, {transform_indices = @transform_3, window_bounds = array<i64: 1, 512, 1024>}, {pipeline_mode = #tpu.pipeline_mode<synchronous>, transform_indices = @transform_4, window_bounds = array<i64: 2048, 1024>}]} {
    %eq3A = arith.constant 0 : i32
    %eq3A_0 = arith.cmpi eq, %arg0, %eq3A : i32
    %eq3A_1 = arith.constant 0 : i32
    %eq3A_2 = arith.cmpi eq, %arg1, %eq3A_1 : i32
    %and3A = arith.andi %eq3A_0, %eq3A_2 : i1
    %convert_element_type3A = arith.extui %and3A : i1 to i32
    %cond3A = arith.constant 0 : i32
    %cond3A_3 = arith.cmpi ne, %convert_element_type3A, %cond3A : i32
    scf.if %cond3A_3 {
      %broadcast_in_dim3A = arith.constant 0.000000e+00 : f32
      %broadcast_in_dim3A_11 = vector.broadcast %broadcast_in_dim3A : f32 to vector<2048x1024xf32>
      %swap3A = arith.constant 0 : index
      %swap3A_12 = arith.constant 0 : index
      %swap3A_13 = vector.load %arg11[%swap3A, %swap3A_12] : memref<2048x1024xf32, #tpu.memory_space<vmem>>, vector<2048x1024xf32>
      tpu.vector_store %arg11[%swap3A, %swap3A_12], %broadcast_in_dim3A_11 {strides = array<i32>} : memref<2048x1024xf32, #tpu.memory_space<vmem>>, vector<2048x1024xf32>,
    } else {
    }
    %get3A = arith.index_cast %arg0 : i32 to index
    %get3A_4 = memref.load %arg4[%get3A] : memref<15xi32, #tpu.memory_space<smem>>
    %get3A_5 = arith.index_cast %arg0 : i32 to index
    %get3A_6 = memref.load %arg3[%get3A_5] : memref<15xi32, #tpu.memory_space<smem>>
    %gt3A = arith.constant 0 : i32
    %gt3A_7 = arith.cmpi sgt, %get3A_4, %gt3A : i32
    %convert_element_type3A_8 = arith.extui %gt3A_7 : i1 to i32
    %cond3A_9 = arith.constant 0 : i32
    %cond3A_10 = arith.cmpi ne, %convert_element_type3A_8, %cond3A_9 : i32
    scf.if %cond3A_10 {
      %eq3A_11 = arith.constant 0 : i32
      %eq3A_12 = arith.cmpi eq, %arg1, %eq3A_11 : i32
      %convert_element_type3A_13 = arith.extui %eq3A_12 : i1 to i32
      %cond3A_14 = arith.constant 0 : i32
      %cond3A_15 = arith.cmpi ne, %convert_element_type3A_13, %cond3A_14 : i32
      scf.if %cond3A_15 {
        %while3A = arith.constant 0 : i32
        %while3A_64 = arith.constant 0 : i32
        %while3A_65 = arith.subi %get3A_4, %while3A_64 : i32
        %while3A_66 = arith.addi %while3A_64, %while3A_65 : i32
        %while3A_67 = arith.constant 1 : i32
        %while3A_68 = arith.divsi %while3A_65, %while3A_67 : i32
        %while3A_69 = arith.muli %while3A_68, %while3A_67 : i32
        %while3A_70 = arith.addi %while3A_64, %while3A_69 : i32
        %while3A_71 = arith.constant 1 : i32
        scf.for %while3A_73 = %while3A_64 to %while3A_70 step %while3A_71  : i32 {
          %add3A = arith.addi %get3A_6, %while3A_73 : i32
          %get3A_74 = arith.index_cast %add3A : i32 to index
          %get3A_75 = memref.load %arg5[%get3A_74] : memref<4096xi32, #tpu.memory_space<smem>>
          %get3A_76 = arith.index_cast %get3A_75 : i32 to index
          %get3A_77 = arith.constant 0 : index
          %get3A_78 = vector.load %arg7[%get3A_76, %get3A_77] : memref<2048x1024xf32, #tpu.memory_space<vmem>>, vector<1x1024xf32>
          %swap3A = arith.index_cast %while3A_73 : i32 to index
          %swap3A_79 = arith.constant 0 : index
          %swap3A_80 = vector.load %arg12[%swap3A, %swap3A_79] : memref<512x1024xf32, #tpu.memory_space<vmem>>, vector<1x1024xf32>
          tpu.vector_store %arg12[%swap3A, %swap3A_79], %get3A_78 {strides = array<i32>} : memref<512x1024xf32, #tpu.memory_space<vmem>>, vector<1x1024xf32>,
        }
        %while3A_72 = arith.constant 1 : i32
        scf.for %while3A_73 = %while3A_70 to %while3A_66 step %while3A_72  : i32 {
          %add3A = arith.addi %get3A_6, %while3A_73 : i32
          %get3A_74 = arith.index_cast %add3A : i32 to index
          %get3A_75 = memref.load %arg5[%get3A_74] : memref<4096xi32, #tpu.memory_space<smem>>
          %get3A_76 = arith.index_cast %get3A_75 : i32 to index
          %get3A_77 = arith.constant 0 : index
          %get3A_78 = vector.load %arg7[%get3A_76, %get3A_77] : memref<2048x1024xf32, #tpu.memory_space<vmem>>, vector<1x1024xf32>
          %swap3A = arith.index_cast %while3A_73 : i32 to index
          %swap3A_79 = arith.constant 0 : index
          %swap3A_80 = vector.load %arg12[%swap3A, %swap3A_79] : memref<512x1024xf32, #tpu.memory_space<vmem>>, vector<1x1024xf32>
          tpu.vector_store %arg12[%swap3A, %swap3A_79], %get3A_78 {strides = array<i32>} : memref<512x1024xf32, #tpu.memory_space<vmem>>, vector<1x1024xf32>,
        }
      } else {
      }
      %get3A_16 = arith.constant 0 : index
      %get3A_17 = arith.constant 0 : index
      %get3A_18 = vector.load %arg12[%get3A_16, %get3A_17] : memref<512x1024xf32, #tpu.memory_space<vmem>>, vector<512x1024xf32>
      %convert_element_type3A_19 = arith.truncf %get3A_18 : vector<512x1024xf32> to vector<512x1024xbf16>
      %get3A_20 = arith.constant 0 : index
      %get3A_21 = arith.constant 0 : index
      %get3A_22 = arith.constant 0 : index
      %get3A_23 = vector.load %arg8[%get3A_20, %get3A_21, %get3A_22] : memref<1x1024x512xf32, #tpu.memory_space<vmem>>, vector<1x1024x512xf32>
      %get3A_24 = vector.shape_cast %get3A_23 : vector<1x1024x512xf32> to vector<1024x512xf32>
      %convert_element_type3A_25 = arith.truncf %get3A_24 : vector<1024x512xf32> to vector<1024x512xbf16>
      %get3A_26 = arith.constant 0 : index
      %get3A_27 = arith.constant 0 : index
      %get3A_28 = arith.constant 0 : index
      %get3A_29 = vector.load %arg9[%get3A_26, %get3A_27, %get3A_28] : memref<1x1024x512xf32, #tpu.memory_space<vmem>>, vector<1x1024x512xf32>
      %get3A_30 = vector.shape_cast %get3A_29 : vector<1x1024x512xf32> to vector<1024x512xf32>
      %convert_element_type3A_31 = arith.truncf %get3A_30 : vector<1024x512xf32> to vector<1024x512xbf16>
      %get3A_32 = arith.constant 0 : index
      %get3A_33 = arith.constant 0 : index
      %get3A_34 = arith.constant 0 : index
      %get3A_35 = vector.load %arg10[%get3A_32, %get3A_33, %get3A_34] : memref<1x512x1024xf32, #tpu.memory_space<vmem>>, vector<1x512x1024xf32>
      %get3A_36 = vector.shape_cast %get3A_35 : vector<1x512x1024xf32> to vector<512x1024xf32>
      %convert_element_type3A_37 = arith.truncf %get3A_36 : vector<512x1024xf32> to vector<512x1024xbf16>
      %dot_general3A = arith.constant dense<0.000000e+00> : vector<512x512xf32>
      %dot_general3A_38 = tpu.matmul %convert_element_type3A_19, %convert_element_type3A_25, %dot_general3A {dimension_numbers = #tpu.dot_dimension_numbers<[1], [0], [0], [1], [0, 0, 1, 1], [], []>, transpose_lhs_hint = false} : vector<512x1024xbf16>, vector<1024x512xbf16>, vector<512x512xf32> -> vector<512x512xf32>
      %dot_general3A_39 = arith.constant dense<0.000000e+00> : vector<512x512xf32>
      %dot_general3A_40 = tpu.matmul %convert_element_type3A_19, %convert_element_type3A_31, %dot_general3A_39 {dimension_numbers = #tpu.dot_dimension_numbers<[1], [0], [0], [1], [0, 0, 1, 1], [], []>, transpose_lhs_hint = false} : vector<512x1024xbf16>, vector<1024x512xbf16>, vector<512x512xf32> -> vector<512x512xf32>
      %logistic3A = arith.negf %dot_general3A_38 : vector<512x512xf32>
      %logistic3A_41 = math.exp %logistic3A : vector<512x512xf32>
      %logistic3A_42 = arith.constant 1.000000e+00 : f32
      %logistic3A_43 = vector.broadcast %logistic3A_42 : f32 to vector<512x512xf32>
      %logistic3A_44 = arith.addf %logistic3A_43, %logistic3A_41 : vector<512x512xf32>
      %logistic3A_45 = arith.divf %logistic3A_43, %logistic3A_44 : vector<512x512xf32>
      %mul3A = arith.mulf %dot_general3A_38, %logistic3A_45 : vector<512x512xf32>
      %mul3A_46 = arith.mulf %mul3A, %dot_general3A_40 : vector<512x512xf32>
      %convert_element_type3A_47 = arith.truncf %mul3A_46 : vector<512x512xf32> to vector<512x512xbf16>
      %dot_general3A_48 = arith.constant dense<0.000000e+00> : vector<512x1024xf32>
      %dot_general3A_49 = tpu.matmul %convert_element_type3A_47, %convert_element_type3A_37, %dot_general3A_48 {dimension_numbers = #tpu.dot_dimension_numbers<[1], [0], [0], [1], [0, 0, 1, 1], [], []>, transpose_lhs_hint = false} : vector<512x512xbf16>, vector<512x1024xbf16>, vector<512x1024xf32> -> vector<512x1024xf32>
      %eq3A_50 = arith.constant 0 : i32
      %eq3A_51 = arith.cmpi eq, %arg1, %eq3A_50 : i32
      %convert_element_type3A_52 = arith.extui %eq3A_51 : i1 to i32
      %cond3A_53 = arith.constant 0 : i32
      %cond3A_54 = arith.cmpi ne, %convert_element_type3A_52, %cond3A_53 : i32
      scf.if %cond3A_54 {
        %swap3A = arith.constant 0 : index
        %swap3A_64 = arith.constant 0 : index
        %swap3A_65 = vector.load %arg13[%swap3A, %swap3A_64] : memref<512x1024xf32, #tpu.memory_space<vmem>>, vector<512x1024xf32>
        tpu.vector_store %arg13[%swap3A, %swap3A_64], %dot_general3A_49 {strides = array<i32>} : memref<512x1024xf32, #tpu.memory_space<vmem>>, vector<512x1024xf32>,
      } else {
      }
      %ne3A = arith.constant 0 : i32
      %ne3A_55 = arith.cmpi ne, %arg1, %ne3A : i32
      %convert_element_type3A_56 = arith.extui %ne3A_55 : i1 to i32
      %cond3A_57 = arith.constant 0 : i32
      %cond3A_58 = arith.cmpi ne, %convert_element_type3A_56, %cond3A_57 : i32
      scf.if %cond3A_58 {
        %get3A_64 = arith.constant 0 : index
        %get3A_65 = arith.constant 0 : index
        %get3A_66 = vector.load %arg13[%get3A_64, %get3A_65] : memref<512x1024xf32, #tpu.memory_space<vmem>>, vector<512x1024xf32>
        %add3A = arith.addf %get3A_66, %dot_general3A_49 : vector<512x1024xf32>
        %swap3A = arith.constant 0 : index
        %swap3A_67 = arith.constant 0 : index
        %swap3A_68 = vector.load %arg13[%swap3A, %swap3A_67] : memref<512x1024xf32, #tpu.memory_space<vmem>>, vector<512x1024xf32>
        tpu.vector_store %arg13[%swap3A, %swap3A_67], %add3A {strides = array<i32>} : memref<512x1024xf32, #tpu.memory_space<vmem>>, vector<512x1024xf32>,
      } else {
      }
      %eq3A_59 = arith.constant 3 : i32
      %eq3A_60 = arith.cmpi eq, %arg1, %eq3A_59 : i32
      %convert_element_type3A_61 = arith.extui %eq3A_60 : i1 to i32
      %cond3A_62 = arith.constant 0 : i32
      %cond3A_63 = arith.cmpi ne, %convert_element_type3A_61, %cond3A_62 : i32
      scf.if %cond3A_63 {
        %while3A = arith.constant 0 : i32
        %while3A_64 = arith.constant 0 : i32
        %while3A_65 = arith.subi %get3A_4, %while3A_64 : i32
        %while3A_66 = arith.addi %while3A_64, %while3A_65 : i32
        %while3A_67 = arith.constant 1 : i32
        %while3A_68 = arith.divsi %while3A_65, %while3A_67 : i32
        %while3A_69 = arith.muli %while3A_68, %while3A_67 : i32
        %while3A_70 = arith.addi %while3A_64, %while3A_69 : i32
        %while3A_71 = arith.constant 1 : i32
        scf.for %while3A_73 = %while3A_64 to %while3A_70 step %while3A_71  : i32 {
          %add3A = arith.addi %get3A_6, %while3A_73 : i32
          %get3A_74 = arith.index_cast %add3A : i32 to index
          %get3A_75 = memref.load %arg5[%get3A_74] : memref<4096xi32, #tpu.memory_space<smem>>
          %get3A_76 = arith.index_cast %get3A_75 : i32 to index
          %get3A_77 = arith.constant 0 : index
          %get3A_78 = vector.load %arg11[%get3A_76, %get3A_77] : memref<2048x1024xf32, #tpu.memory_space<vmem>>, vector<1x1024xf32>
          %get3A_79 = arith.index_cast %add3A : i32 to index
          %get3A_80 = memref.load %arg6[%get3A_79] : memref<4096xf32, #tpu.memory_space<smem>>
          %get3A_81 = arith.index_cast %while3A_73 : i32 to index
          %get3A_82 = arith.constant 0 : index
          %get3A_83 = vector.load %arg13[%get3A_81, %get3A_82] : memref<512x1024xf32, #tpu.memory_space<vmem>>, vector<1x1024xf32>
          %mul3A_84 = vector.broadcast %get3A_80 : f32 to vector<1x1024xf32>
          %mul3A_85 = arith.mulf %mul3A_84, %get3A_83 : vector<1x1024xf32>
          %add3A_86 = arith.addf %get3A_78, %mul3A_85 : vector<1x1024xf32>
          %swap3A = arith.index_cast %get3A_75 : i32 to index
          %swap3A_87 = arith.constant 0 : index
          %swap3A_88 = vector.load %arg11[%swap3A, %swap3A_87] : memref<2048x1024xf32, #tpu.memory_space<vmem>>, vector<1x1024xf32>
          tpu.vector_store %arg11[%swap3A, %swap3A_87], %add3A_86 {strides = array<i32>} : memref<2048x1024xf32, #tpu.memory_space<vmem>>, vector<1x1024xf32>,
        }
        %while3A_72 = arith.constant 1 : i32
        scf.for %while3A_73 = %while3A_70 to %while3A_66 step %while3A_72  : i32 {
          %add3A = arith.addi %get3A_6, %while3A_73 : i32
          %get3A_74 = arith.index_cast %add3A : i32 to index
          %get3A_75 = memref.load %arg5[%get3A_74] : memref<4096xi32, #tpu.memory_space<smem>>
          %get3A_76 = arith.index_cast %get3A_75 : i32 to index
          %get3A_77 = arith.constant 0 : index
          %get3A_78 = vector.load %arg11[%get3A_76, %get3A_77] : memref<2048x1024xf32, #tpu.memory_space<vmem>>, vector<1x1024xf32>
          %get3A_79 = arith.index_cast %add3A : i32 to index
          %get3A_80 = memref.load %arg6[%get3A_79] : memref<4096xf32, #tpu.memory_space<smem>>
          %get3A_81 = arith.index_cast %while3A_73 : i32 to index
          %get3A_82 = arith.constant 0 : index
          %get3A_83 = vector.load %arg13[%get3A_81, %get3A_82] : memref<512x1024xf32, #tpu.memory_space<vmem>>, vector<1x1024xf32>
          %mul3A_84 = vector.broadcast %get3A_80 : f32 to vector<1x1024xf32>
          %mul3A_85 = arith.mulf %mul3A_84, %get3A_83 : vector<1x1024xf32>
          %add3A_86 = arith.addf %get3A_78, %mul3A_85 : vector<1x1024xf32>
          %swap3A = arith.index_cast %get3A_75 : i32 to index
          %swap3A_87 = arith.constant 0 : index
          %swap3A_88 = vector.load %arg11[%swap3A, %swap3A_87] : memref<2048x1024xf32, #tpu.memory_space<vmem>>, vector<1x1024xf32>
          tpu.vector_store %arg11[%swap3A, %swap3A_87], %add3A_86 {strides = array<i32>} : memref<2048x1024xf32, #tpu.memory_space<vmem>>, vector<1x1024xf32>,
        }
      } else {
      }
    } else {
    }
    return
  }
  func.func @transform_0(%arg0: i32, %arg1: i32, %arg2: memref<15xi32, #tpu.memory_space<smem>>, %arg3: memref<15xi32, #tpu.memory_space<smem>>, %arg4: memref<15xi32, #tpu.memory_space<smem>>, %arg5: memref<4096xi32, #tpu.memory_space<smem>>, %arg6: memref<4096xf32, #tpu.memory_space<smem>>) -> (i32, i32) {
    %c0_i32 = arith.constant 0 : i32
    %c0_i32_0 = arith.constant 0 : i32
    %c0_i32_1 = arith.constant 0 : i32
    return %c0_i32, %c0_i32_0 : i32, i32
  }
  func.func @transform_1(%arg0: i32, %arg1: i32, %arg2: memref<15xi32, #tpu.memory_space<smem>>, %arg3: memref<15xi32, #tpu.memory_space<smem>>, %arg4: memref<15xi32, #tpu.memory_space<smem>>, %arg5: memref<4096xi32, #tpu.memory_space<smem>>, %arg6: memref<4096xf32, #tpu.memory_space<smem>>) -> (i32, i32, i32) {
    %get3A = arith.index_cast %arg0 : i32 to index
    %get3A_0 = memref.load %arg2[%get3A] : memref<15xi32, #tpu.memory_space<smem>>
    %c0_i32 = arith.constant 0 : i32
    %c0_i32_1 = arith.constant 0 : i32
    return %get3A_0, %c0_i32, %arg1 : i32, i32, i32
  }
  func.func @transform_2(%arg0: i32, %arg1: i32, %arg2: memref<15xi32, #tpu.memory_space<smem>>, %arg3: memref<15xi32, #tpu.memory_space<smem>>, %arg4: memref<15xi32, #tpu.memory_space<smem>>, %arg5: memref<4096xi32, #tpu.memory_space<smem>>, %arg6: memref<4096xf32, #tpu.memory_space<smem>>) -> (i32, i32, i32) {
    %get3A = arith.index_cast %arg0 : i32 to index
    %get3A_0 = memref.load %arg2[%get3A] : memref<15xi32, #tpu.memory_space<smem>>
    %c0_i32 = arith.constant 0 : i32
    %c0_i32_1 = arith.constant 0 : i32
    return %get3A_0, %c0_i32, %arg1 : i32, i32, i32
  }
  func.func @transform_3(%arg0: i32, %arg1: i32, %arg2: memref<15xi32, #tpu.memory_space<smem>>, %arg3: memref<15xi32, #tpu.memory_space<smem>>, %arg4: memref<15xi32, #tpu.memory_space<smem>>, %arg5: memref<4096xi32, #tpu.memory_space<smem>>, %arg6: memref<4096xf32, #tpu.memory_space<smem>>) -> (i32, i32, i32) {
    %get3A = arith.index_cast %arg0 : i32 to index
    %get3A_0 = memref.load %arg2[%get3A] : memref<15xi32, #tpu.memory_space<smem>>
    %c0_i32 = arith.constant 0 : i32
    %c0_i32_1 = arith.constant 0 : i32
    return %get3A_0, %arg1, %c0_i32 : i32, i32, i32
  }
  func.func @transform_4(%arg0: i32, %arg1: i32, %arg2: memref<15xi32, #tpu.memory_space<smem>>, %arg3: memref<15xi32, #tpu.memory_space<smem>>, %arg4: memref<15xi32, #tpu.memory_space<smem>>, %arg5: memref<4096xi32, #tpu.memory_space<smem>>, %arg6: memref<4096xf32, #tpu.memory_space<smem>>) -> (i32, i32) {
    %c0_i32 = arith.constant 0 : i32
    %c0_i32_0 = arith.constant 0 : i32
    %c0_i32_1 = arith.constant 0 : i32
    return %c0_i32, %c0_i32_0 : i32, i32
  }
}

</mosaic_0001>

<sc_bundles>
// kernel: gather_offload_async_start
scs
__scs_entry_jumppad:
0x0: {  	(pc) =	sbr.rel $0x88, $3  }
0x1: {  	(tag) =	ssettag $0x0;
	lr =	simm.s32 $0x1  }
0x2: {  	[smem:$0x3F9C] =	sst lr;
	_ =	strace $0xD0000000  }
0x3: {  	_ = 	snop  }
0x4: {  	_ = 	snop  }
0x5: {  	_ = 	snop  }
0x6: {  	_ = 	snop  }
0x7: {  	_ = 	snop  }
__scs_overlays_trampoline_lowered:
0x8: {  	[smem:$0x3FAB] =	sst s0  }
0x9: {  	[smem:$0x3FAC] =	sst s1  }
0xa: {  	[smem:$0x3FAD] =	sst s2  }
0xb: {  	[smem:$0x3FAE] =	sst s3  }
0xc: {  	[smem:$0x3FAF] =	sst s4  }
0xd: {  	[smem:$0x3FB0] =	sst s5  }
0xe: {  	[smem:$0x3FB1] =	sst s6  }
0xf: {  	[smem:$0x3FB2] =	sst s7  }
0x10: {  	[smem:$0x3FB3] =	sst s8  }
0x11: {  	[smem:$0x3FB4] =	sst s9;
	s0 =	simm.s32 @!p0 $0x0  }
0x12: {  	s1 =	sld [smem:$0x3F9A];
	s0 =	simm.s32 @p0 $0x1  }
0x13: {  	[smem:$0x3FB5] =	sst s0;
	s0 =	simm.s32 @!p1 $0x0  }
0x14: {  	s2 =	sld [smem:$0x3F99];
	s0 =	simm.s32 @p1 $0x1  }
0x15: {  	[smem:$0x3FB6] =	sst s0;
	s0 =	simm.s32 @!p2 $0x0  }
0x16: {  	s3 =	sld [smem:$0x3FDB];
	s0 =	simm.s32 @p2 $0x1  }
0x17: {  	s4 =	simm.s32 $0x1BF5;
	[smem:$0x3FB8] =	sst s0  }
0x18: {  	s0 =	sld [smem:$0x3F9B];
	_ =	swait.ge [sflag:s4], $0x0  }
0x19: {  	s7 =	sld [smem:$0x3F9C]  }
0x1a: {  	s8 =	sadd.s32 $0xFFFFE003, lr  }
0x1b: {  	s9 =	sadd.s32 $0xFFFFFEF7, lr;
	s5 =	simm.s32 $0xFFFFFFFF;
	p2 =	slt.u32 s8, $0xFFFFF086  }
0x1c: {  	p1 =	slt.u32 s9, $0xF7A;
	s5 =	simm.s32 @!p2 $0x0  }
0x1d: {  	s5 =	simm.s32 @p1 $0x1;
	p0 =	seq.s32 s7, s2  }
0x1e: {  	s7 =	smul.u32 @!p0 $0xF7A, s2;
	p2 =	seq.s32 @!p0 s5, $0x0  }
0x1f: {  	s9 =	smul.u32 $0xF7A, s1;
	s8 =	simm.s32 @!p0 $0x1BF5;
	p2 =	por !p2, p0  }
0x20: {  	[sflag:s8] =	ssyncset.s32 @!p0 $0xFFFFF086;
	s6 =	sadd.s32 @!p0 s3, s7;
	s7 =	simm.s32 @!p0 $0x108  }
0x21: {  	s3 =	sadd.s32 s3, s9;
	s6 =	sadd.s32 @!p0 $0x88, s6;
	s7 =	simm.s32 @p2 $0x1082  }
0x22: {  	[simem:s7], [sflag:s8] =	dma.local @!p0 [hbm:s6], $0xF7A  }
0x23: {  	s9 =	sor.u32 $0xD0000000, s2;
	s6 =	simm.s32 $0x108;
	_ =	swait.ge @!p0 [sflag:s8], $0x0  }
0x24: {  	s3 =	sadd.s32 $0x88, s3;
	s6 =	simm.s32 @!p1 $0x1082;
	[sflag:s4] =	ssyncset.s32 $0xFFFFF086  }
0x25: {  	[simem:s6], [sflag:s4] =	dma.local [hbm:s3], $0xF7A  }
0x26: {  	[smem:$0x3F9C] =	sst s1;
	(tag) =	ssettag s2;
	_ =	strace s9  }
0x27: {  	s1 =	sld [smem:$0x3FAC]  }
0x28: {  	s2 =	sld [smem:$0x3FAD]  }
0x29: {  	s4 =	sld [smem:$0x3FAF]  }
0x2a: {  	p0 =	seq.s32 s5, $0x0;
	s5 =	sld [smem:$0x3FB0]  }
0x2b: {  	s6 =	sld [smem:$0x3FB1]  }
0x2c: {  	s7 =	sld [smem:$0x3FB2]  }
0x2d: {  	s3 =	simm.s32 $0x108;
	s8 =	sld [smem:$0x3FB3]  }
0x2e: {  	s3 =	simm.s32 @!p0 $0x1082;
	s9 =	sld [smem:$0x3FB4]  }
0x2f: {  	lr =	sadd.s32 s0, s3;
	s0 =	sld [smem:$0x3FAB]  }
0x30: {  	s3 =	sld [smem:$0x3FAE]  }
0x31: {  	[smem:$0x3FB7] =	sst s10  }
0x32: {  	s10 =	sld [smem:$0x3FB5];
	_ =	sdelay $0x3  }
0x33: {  	p0 =	seq.s32 s10, $0x1;
	s10 =	sld [smem:$0x3FB7];
	_ =	sdelay $0x3  }
0x34: {  	[smem:$0x3FB7] =	sst s10  }
0x35: {  	s10 =	sld [smem:$0x3FB6];
	_ =	sdelay $0x3  }
0x36: {  	p1 =	seq.s32 s10, $0x1;
	s10 =	sld [smem:$0x3FB7];
	_ =	sdelay $0x3  }
0x37: {  	[smem:$0x3FB7] =	sst s10  }
0x38: {  	s10 =	sld [smem:$0x3FB8]  }
0x39: {  	_ = 	snop;
	(pc) =	sbr.ind lr, $3  }
0x3a: {  	_ = 	snop  }
0x3b: {  	_ = 	snop  }
0x3c: {  	p2 =	seq.s32 s10, $0x1;
	s10 =	sld [smem:$0x3FB7]  }
0x3d: {  	_ =	shalt  }
0x3e: {  	_ =	shalt  }
0x3f: {  	_ =	shalt  }
0x40: {  	_ =	shalt  }
0x41: {  	_ =	shalt  }
0x42: {  	_ =	shalt  }
0x43: {  	_ =	shalt  }
0x44: {  	_ =	shalt  }
0x45: {  	_ =	shalt  }
0x46: {  	_ =	shalt  }
0x47: {  	_ =	shalt  }
0x48: {  	_ =	shalt  }
0x49: {  	_ =	shalt  }
0x4a: {  	_ =	shalt  }
0x4b: {  	_ =	shalt  }
0x4c: {  	_ =	shalt  }
0x4d: {  	_ =	shalt  }
0x4e: {  	_ =	shalt  }
0x4f: {  	_ =	shalt  }
0x50: {  	_ =	shalt  }
0x51: {  	_ =	shalt  }
0x52: {  	_ =	shalt  }
0x53: {  	_ =	shalt  }
0x54: {  	_ =	shalt  }
0x55: {  	_ =	shalt  }
0x56: {  	_ =	shalt  }
0x57: {  	_ =	shalt  }
0x58: {  	_ =	shalt  }
0x59: {  	_ =	shalt  }
0x5a: {  	_ =	shalt  }
0x5b: {  	_ =	shalt  }
0x5c: {  	_ =	shalt  }
0x5d: {  	_ =	shalt  }
0x5e: {  	_ =	shalt  }
0x5f: {  	_ =	shalt  }
0x60: {  	_ =	shalt  }
0x61: {  	_ =	shalt  }
0x62: {  	_ =	shalt  }
0x63: {  	_ =	shalt  }
0x64: {  	_ =	shalt  }
0x65: {  	_ =	shalt  }
0x66: {  	_ =	shalt  }
0x67: {  	_ =	shalt  }
0x68: {  	_ =	shalt  }
0x69: {  	_ =	shalt  }
0x6a: {  	_ =	shalt  }
0x6b: {  	_ =	shalt  }
0x6c: {  	_ =	shalt  }
0x6d: {  	_ =	shalt  }
0x6e: {  	_ =	shalt  }
0x6f: {  	_ =	shalt  }
0x70: {  	_ =	shalt  }
0x71: {  	_ =	shalt  }
0x72: {  	_ =	shalt  }
0x73: {  	_ =	shalt  }
0x74: {  	_ =	shalt  }
0x75: {  	_ =	shalt  }
0x76: {  	_ =	shalt  }
0x77: {  	_ =	shalt  }
0x78: {  	_ =	shalt  }
0x79: {  	_ =	shalt  }
0x7a: {  	_ =	shalt  }
0x7b: {  	_ =	shalt  }
0x7c: {  	_ =	shalt  }
0x7d: {  	_ =	shalt  }
0x7e: {  	_ =	shalt  }
0x7f: {  	_ =	shalt  }
0x80: {  	_ =	shalt  }
0x81: {  	_ =	shalt  }
0x82: {  	_ =	shalt  }
0x83: {  	_ =	shalt  }
0x84: {  	_ =	shalt  }
0x85: {  	_ =	shalt  }
0x86: {  	_ =	shalt  }
0x87: {  	_ =	shalt  }
.Lfunc_end0:
.L_simem_size_0:
called_computation.1_lowered:
.L_overlay_start_0:
0x88: {  	s2 =	sld [smem:$0x3FD9]  }
0x89: {  	s3 =	sld [smem:$0x3FFE];
	_ =	sdelay $0x1  }
0x8a: {  	s1 =	srdreg.scid  }
0x8b: {  	s0 =	sand.u32 $0x1, s1  }
0x8c: {  	s16 =	sshll.u32 s0, $0xA;
	s2 =	sadd.s32 s3, s2  }
0x8d: {  	s2 =	sadd.s32 s2, s16  }
0x8e: {  	[smem:$0x3FC3] =	sst s2  }
0x8f: {  	_ = 	snop  }
0x90: {  	(tm) =	ssettm $0x1  }
0x91: {  	s17 =	sld [smem:$0x3FFB];
	_ =	sdelay $0x3  }
0x92: {  	_ =	strace s17  }
0x93: {  	s2 =	sld [smem:$0x3FFC];
	_ =	sdelay $0x3  }
0x94: {  	_ =	strace s2  }
0x95: {  	s2 =	sld [smem:$0x3FFD];
	_ =	sdelay $0x3  }
0x96: {  	_ =	strace s2  }
0x97: {  	_ =	strace $0x8FFFFFFF  }
0x98: {  	s18 =	sld [smem:$0x3FDB];
	_ =	sdelay $0x1  }
0x99: {  	s19 =	simm.s32 $_scs_section_size  }
0x9a: {  	s4 =	simm.s32 $_size__tile_overlayer_lowered;
	s5 =	simm.s32 $_tile_overlayer_lowered  }
0x9b: {  	s22 =	simm.s32 $0x1BFF;
	s21 =	sshll.u32 s5, $0x1;
	s2 =	sadd.s32 s19, s18  }
0x9c: {  	s6 =	simm.s32 $0x0;
	s20 =	sshll.u32 s4, $0x1;
	s4 =	sadd.s32 s21, s2  }
0x9d: {  	[timem:s6], [sflag:s22] =	dma.local [hbm:s4], s20  }
0x9e: {  	_ =	swait.ge [sflag:s22], s20  }
0x9f: {  	s3 =	ssub.s32 $0x0, s20;
	[sflag:s22] =	ssyncset.done $0x0  }
0xa0: {  	[sflag:s22] =	ssyncadd.s32 s3;
	_ =	sdelay $0x1  }
0xa1: {  	s23 =	simm.s32 $0x1B8B  }
0xa2: {  	_ =	swait.ge [sflag:s23], $0x1  }
0xa3: {  	[sflag:s23] =	ssyncset.done $0x0  }
0xa4: {  	s25 =	simm.s32 $0x1B8E;
	s24 =	sld [smem:$0x3FFE];
	[sflag:s23] =	ssyncadd.s32 $0xFFFFFFFF  }
0xa5: {  	s26 =	simm.s32 $execute0_lowered;
	[smem:$0x3FD2] =	sst s25  }
0xa6: {  	s4 =	sshll.u32 s26, $0x1;
	_ =	strace $0x80000049;
	[dreg:$0x1] =	wrdreg $0xFFFFFFFF  }
0xa7: {  	s28 =	simm.s32 $_size_execute0_lowered;
	s2 =	sadd.s32 s2, s4;
	[dreg:$0x0] =	wrdreg $0x0  }
0xa8: {  	s4 =	sshll.u32 s28, $0x1;
	[dreg:$0x2] =	wrdreg s2  }
0xa9: {  	[dreg:$0x3] =	wrdreg s4  }
0xaa: {  	[dreg:$0x4] =	wrdreg $0xC0  }
0xab: {  	_ =	task [dreg:s6], $0x5FFFF  }
0xac: {  	[dreg:$0x1] =	wrdreg $0xFFFFFFFF  }
0xad: {  	[dreg:$0x0] =	wrdreg $0x60  }
0xae: {  	[dreg:$0x2] =	wrdreg s24  }
0xaf: {  	[dreg:$0x3] =	wrdreg $0x9  }
0xb0: {  	_ =	task.clear_ibuf [dreg:s6], $0x4FFFF;
	_ =	strace $0x90000049  }
0xb1: {  	s29 =	simm.s32 $0x9;
	_ =	strace $0x8000004B  }
0xb2: {  	_ =	swait.ge [sflag:s29], $0x1  }
0xb3: {  	[sflag:s29] =	ssyncadd.s32 $0xFFFFFFFF  }
0xb4: {  	_ =	strace $0x9000004B  }
0xb5: {  	_ =	sfence  }
0xb6: {  	s30 =	sld [smem:$0x0];
	_ =	sdelay $0x2  }
0xb7: {  	s31 =	sshll.u32 s1, $0xD;
	s1 =	sshrl.u32 s1, $0x2  }
0xb8: {  	s3 =	sand.u32 $0x4000, s31;
	s1 =	sadd.s32 s1, s30  }
0xb9: {  	s0 =	sor.u32 s3, s0;
	s1 =	sshll.u32 s1, $0x11  }
0xba: {  	s0 =	sor.u32 s1, s0  }
0xbb: {  	s0 =	sadd.s32 $0x8F2B, s0  }
0xbc: {  	[sflag:s0] =	ssyncadd.remote.s32 $0x1  }
0xbd: {  	_ =	sfence.sel $0xFFFF  }
0xbe: {  	[dreg:$0x0] =	wrdreg $0xFFFFFFFF;
	(pc) =	sbr.abs _section_cstart, $3  }
0xbf: {  	[dreg:$0x1] =	wrdreg $0xFFFFFFFF  }
0xc0: {  	_ =	task.clear_ibuf [dreg:s6], $0x2FFFF;
	_ =	strace $0x9FFFFFFF  }
0xc1: {  	(tm) =	ssettm $0x7FFFFFFF  }
tec
execute0_lowered:
.L_overlay_start_1:
0x0: {  	(tag) =	ssettag $0x1  }
0x1: {  	s1 =	srdreg.scid  }
0x2: {  	s0 =	stileid.u32;
	s2 =	rddreg [dreg:$0x0];
	s6 =	simm.s32 $0x1  }
0x3: {  	s9 =	simm.s32 $0x1;
	s10 =	simm.s32 $0x3;
	s1 =	sshll.u32 s1, $0x6  }
0x4: {  	s13 =	simm.s32 $0x0;
	s3 =	sshll.u32 s0, $0x7;
	s4 =	sand.u32 $0x40, s1  }
0x5: {  	s12 =	simm.s32 $0x0;
	s5 =	sadd.s32 $0x200, s2;
	s3 =	sor.u32 s3, s4  }
0x6: {  	s1 =	rddreg [dreg:$0x1];
	_ =	strace $0x8000004A;
	s8 =	ssub.s32 $0x1000, s3  }
.Ltmp0:
0x7: {  	s4 =	sadd.s32 $0x600, s2;
	s7 =	sand.u32 $0x7C0, s8;
	(pc) =	sbr.rel .LBB2_1-.Ltmp0, $4  }
0x8: {  	[sflag:s6] =	ssyncpa.u1 $0x0;
	s11 =	smov.u32 s3;
	p0 =	sne.s32 s7, $0x0  }
0x9: {  	s8 =	sshrl.u32 s8, $0xB;
	s7 =	simm.s32 $0x2;
	s9 =	simm.s32 @!p0 $0x0  }
0xa: {  	[sflag:s7] =	ssyncpa.u1 $0x0;
	p0 =	por $0x0, $0x0;
	s8 =	sadd.s32 s9, s8  }
0xb: {  	vm0 =	vmmov $0xffff;
	[sflag:s10] =	ssyncpa.u1 $0x0;
	s10 =	simm.s32 $0x0;
	s9 =	sadd.s32 $0x1, s8  }
.LBB2_4:
0xc: {  	v2 =	vnsel vm1, $0x0, v2  }
0xd: {  	vm1 =	vgt.s32 v0, $0x0;
	v2 =	vmin.u32 v2, $0xFFF  }
0xe: {  	v0 =	vnsel vm1, $0x0, v0  }
0xf: {  	v0 =	vmin.u32 v0, $0xFFF  }
0x10: {  	[tilespmem:s15], [sflag:$0x1] =	stream.indirect_vreg.gather [hbm4b:s2+s10], $0x1, v1, vm0, $0x4038;
	[tilespmem:$0x100] =	vst v63  }
0x11: {  	(ifvalue) =	ssetifvalue $0x7FFFFFFF  }
0x12: {  	[tilespmem:s16], [sflag:$0x1] =	stream.indirect_vreg.gather [hbm4b:s2+s10], $0x1, v2, vm0, $0x4038;
	[tilespmem:$0x100] =	vst v63  }
0x13: {  	s29 =	sadd.s32 $0x10, s16;
	(ifvalue) =	ssetifvalue $0x7FFFFFFF  }
0x14: {  	[tilespmem:s29], [sflag:$0x1] =	stream.indirect_vreg.gather [hbm4b:s2+s10], $0x1, v0, vm0, $0x4038;
	[tilespmem:$0x100] =	vst v63  }
0x15: {  	_ =	swait.ge [sflag:s6], $0x40  }
0x16: {  	s30 =	sshrl.u32 s13, $0x3;
	[sflag:s6] =	ssyncset.done $0x0  }
0x17: {  	s31 =	sand.u32 $0x7, s13;
	s15 =	sadd.s32 s5, s30;
	[sflag:s6] =	ssyncadd.s32 $0xFFFFFFC0  }
0x18: {  	[hbm4b:s15+s31] =	stream.linear.scatter [tilespmem:s14], [sflag:$0x3], $0x40, $0x38;
	[tilespmem:$0x100] =	vst v63  }
.LBB2_5:
0x19: {  	s15 =	sadd.s32 $0x800, s11  }
0x1a: {  	p2 =	sgt.s32 s15, $0xFFF  }
0x1b: {  	s15 =	smov.u32 @p2 s3;
	p2 =	sne.s32 s12, s9  }
.Ltmp1:
0x1c: {  	p1 =	slt.u32 s12, $0x2;
	(pc) =	sbr.rel @!p2 .LBB2_6-.Ltmp1, $4  }
0x1d: {  	s14 =	simm.s32 @!p1 $0x3  }
0x1e: {  	s16 =	sadd.s32 $0x1, s12;
	_ =	swait.ge @!p1 [sflag:s14], $0x40  }
0x1f: {  	s13 =	smov.u32 s11;
	p0 =	por !p0, !p0;
	[sflag:s14] =	ssyncset.done @!p1 $0x0  }
0x20: {  	s12 =	smov.u32 s16;
	s11 =	smov.u32 s15;
	[sflag:s14] =	ssyncadd.s32 @!p1 $0xFFFFFFC0  }
.LBB2_1:
0x21: {  	p1 =	sge.u32 s12, s8  }
0x22: {  	s14 =	sxor.u32 @!p1 $0xFFFFFFFF, s12  }
0x23: {  	s31 =	sadd.s32 $0xFFFFFFFF, s12;
	s15 =	sshrl.u32 @!p1 s11, $0x3;
	s14 =	sshll.u32 @!p1 s14, $0x6  }
0x24: {  	s16 =	sand.u32 @!p1 $0x7, s11;
	s15 =	sadd.s32 @!p1 s4, s15;
	s14 =	sand.u32 @!p1 $0x40, s14  }
0x25: {  	[tilespmem:s14], [sflag:$0x2] =	stream.linear.gather @!p1 [hbm4b:s15+s16], $0x40, $0x38;
	[tilespmem:$0x100] =	vst v63  }
0x26: {  	p1 =	sge.u32 s31, s8  }
.Ltmp2:
0x27: {  	_ = 	snop;
	(pc) =	sbr.rel @p1 .LBB2_5-.Ltmp2, $1  }
0x28: {  	_ =	sdelay $0x3  }
0x29: {  	s14 =	simm.s32 $0x1  }
0x2a: {  	_ =	swait.ge [sflag:s7], $0x40;
	s14 =	simm.s32 @!p0 $0x0  }
0x2b: {  	[sflag:s7] =	ssyncset.done $0x0;
	s14 =	sshll.u32 s14, $0x6  }
0x2c: {  	[sflag:s7] =	ssyncadd.s32 $0xFFFFFFC0;
	(ifvalue) =	ssetifvalue $0x7FFFFFFF;
	v0 =	vld.msk [tilespmem:s14+$0x0 ss:$0x1], $0xffff;
	_ =	sdelay $0x4  }
0x2d: {  	s15 =	sadd.s32 $0x10, s14;
	vm1 =	vgt.s32 v0, $0x0  }
0x2e: {  	v2 =	vld.msk [tilespmem:s15+$0x0 ss:$0x1], $0xffff;
	v1 =	vnsel vm1, $0x0, v0  }
0x2f: {  	v1 =	vmin.u32 v1, $0xFFF;
	_ =	sdelay $0x1  }
0x30: {  	s16 =	sshll.u32 s12, $0x6;
	s18 =	simm.s32 $0x20  }
0x31: {  	s16 =	sand.u32 $0x40, s16;
	s17 =	sadd.s32 $0x10, s15;
	s15 =	sor.u32 $0x80, s14  }
0x32: {  	s14 =	sor.u32 $0x80, s16;
	s16 =	sadd.s32 $0x10, s15;
	v0 =	vld.msk [tilespmem:s17+$0x0 ss:$0x1], $0xffff;
	vm1 =	vgt.s32 v2, $0x0;
	(ifvalue) =	ssetifvalue $0x7FFFFFFF  }
.LBB2_3:
0x33: {  	[tilespmem:s15], [sflag:$0x1] =	stream.indirect_vreg.gather [hbm4b:s2+s10], $0x1, v1, vm0, $0x4038;
	[tilespmem:$0x100] =	vst v63  }
0x34: {  	s18 =	sadd.s32 $0x10, s18  }
0x35: {  	v2 =	vnsel vm1, $0x0, v2;
	p1 =	slt.u32 s18, $0x30  }
.Ltmp3:
0x36: {  	s15 =	smov.u32 s16;
	v1 =	vmin.u32 v2, $0xFFF;
	(pc) =	sbr.rel @p1 .LBB2_3-.Ltmp3, $3  }
0x37: {  	_ =	sdelay $0x1  }
0x38: {  	s17 =	sadd.s32 $0x10, s17  }
0x39: {  	vm1 =	vgt.s32 v0, $0x0;
	s16 =	sadd.s32 $0x10, s16;
	v2 =	vmov v0;
	(ifvalue) =	ssetifvalue $0x7FFFFFFF;
	v0 =	vld.msk [tilespmem:s17+$0x0 ss:$0x1], $0xffff  }
.Ltmp4:
0x3a: {  	_ = 	snop;
	(pc) =	sbr.rel .LBB2_4-.Ltmp4, $1  }
0x3b: {  	_ =	sdelay $0x3  }
.LBB2_6:
0x3c: {  	_ =	sfence.sel $0x180000  }
0x3d: {  	s2 =	simm.s32 $0x2;
	[bflag:$0x0] =	sbarrier.arrive $0xFFFF  }
0x3e: {  	s30 =	simm.s32 $0x3;
	[sflag:s2] =	ssyncpa.u1 $0x1  }
0x3f: {  	s31 =	simm.s32 $0x1;
	[sflag:s30] =	ssyncpa.u1 $0x1  }
0x40: {  	[sflag:s31] =	ssyncpa.u1 $0x1  }
0x41: {  	p0 =	sne.s32 s0, $0x0;
	_ =	strace $0x9000004A  }
0x42: {  	s0 =	sadd.s32 @!p0 $0x100000, s1;
	[bflag:$0x2] =	sbarrier.arrive $0xFFFF  }
0x43: {  	[sflag:s0] =	ssyncadd.tile.s32 @!p0 $0x1;
	_ =	shalt  }
.Lfunc_end2:
_tile_overlayer_lowered:
.L_overlay_start_2:
0x44: {  	(tag) =	ssettag $0x2  }
0x45: {  	s0 =	rddreg [dreg:$0x0];
	s2 =	stileid.u32  }
0x46: {  	s1 =	rddreg [dreg:$0x1];
	p0 =	sne.s32 s2, $0x0  }
0x47: {  	s3 =	rddreg [dreg:$0x2];
	[bflag:$0x3] =	sbarrier.arrive $0xFFFF;
	s2 =	simm.s32 @!p0 $0x1C01  }
0x48: {  	[timem:s3], [sflag:s2] =	dma.local @!p0 [hbm:s0], s1  }
0x49: {  	s0 =	simm.s32 @!p0 $0x1  }
0x4a: {  	_ =	swait.ge @!p0 [sflag:s0], s1  }
0x4b: {  	s1 =	ssub.s32 @!p0 $0x0, s1;
	[sflag:s0] =	ssyncset.done @!p0 $0x0  }
0x4c: {  	[sflag:s0] =	ssyncadd.s32 @!p0 s1  }
0x4d: {  	[bflag:$0x3] =	sbarrier.arrive $0xFFFF  }
0x4e: {  	_ =	shalt  }

// kernel: scatter_offload_async_start
scs
__scs_entry_jumppad:
0x0: {  	(pc) =	sbr.rel $0x88, $3  }
0x1: {  	(tag) =	ssettag $0x0;
	lr =	simm.s32 $0x1  }
0x2: {  	[smem:$0x3F9C] =	sst lr;
	_ =	strace $0xD0000000  }
0x3: {  	_ = 	snop  }
0x4: {  	_ = 	snop  }
0x5: {  	_ = 	snop  }
0x6: {  	_ = 	snop  }
0x7: {  	_ = 	snop  }
__scs_overlays_trampoline_lowered:
0x8: {  	[smem:$0x3FAB] =	sst s0  }
0x9: {  	[smem:$0x3FAC] =	sst s1  }
0xa: {  	[smem:$0x3FAD] =	sst s2  }
0xb: {  	[smem:$0x3FAE] =	sst s3  }
0xc: {  	[smem:$0x3FAF] =	sst s4  }
0xd: {  	[smem:$0x3FB0] =	sst s5  }
0xe: {  	[smem:$0x3FB1] =	sst s6  }
0xf: {  	[smem:$0x3FB2] =	sst s7  }
0x10: {  	[smem:$0x3FB3] =	sst s8  }
0x11: {  	[smem:$0x3FB4] =	sst s9;
	s0 =	simm.s32 @!p0 $0x0  }
0x12: {  	s1 =	sld [smem:$0x3F9A];
	s0 =	simm.s32 @p0 $0x1  }
0x13: {  	[smem:$0x3FB5] =	sst s0;
	s0 =	simm.s32 @!p1 $0x0  }
0x14: {  	s2 =	sld [smem:$0x3F99];
	s0 =	simm.s32 @p1 $0x1  }
0x15: {  	[smem:$0x3FB6] =	sst s0;
	s0 =	simm.s32 @!p2 $0x0  }
0x16: {  	s3 =	sld [smem:$0x3FDB];
	s0 =	simm.s32 @p2 $0x1  }
0x17: {  	s4 =	simm.s32 $0x1BF5;
	[smem:$0x3FB8] =	sst s0  }
0x18: {  	s0 =	sld [smem:$0x3F9B];
	_ =	swait.ge [sflag:s4], $0x0  }
0x19: {  	s7 =	sld [smem:$0x3F9C]  }
0x1a: {  	s8 =	sadd.s32 $0xFFFFE003, lr  }
0x1b: {  	s9 =	sadd.s32 $0xFFFFFEF7, lr;
	s5 =	simm.s32 $0xFFFFFFFF;
	p2 =	slt.u32 s8, $0xFFFFF086  }
0x1c: {  	p1 =	slt.u32 s9, $0xF7A;
	s5 =	simm.s32 @!p2 $0x0  }
0x1d: {  	s5 =	simm.s32 @p1 $0x1;
	p0 =	seq.s32 s7, s2  }
0x1e: {  	s7 =	smul.u32 @!p0 $0xF7A, s2;
	p2 =	seq.s32 @!p0 s5, $0x0  }
0x1f: {  	s9 =	smul.u32 $0xF7A, s1;
	s8 =	simm.s32 @!p0 $0x1BF5;
	p2 =	por !p2, p0  }
0x20: {  	[sflag:s8] =	ssyncset.s32 @!p0 $0xFFFFF086;
	s6 =	sadd.s32 @!p0 s3, s7;
	s7 =	simm.s32 @!p0 $0x108  }
0x21: {  	s3 =	sadd.s32 s3, s9;
	s6 =	sadd.s32 @!p0 $0x88, s6;
	s7 =	simm.s32 @p2 $0x1082  }
0x22: {  	[simem:s7], [sflag:s8] =	dma.local @!p0 [hbm:s6], $0xF7A  }
0x23: {  	s9 =	sor.u32 $0xD0000000, s2;
	s6 =	simm.s32 $0x108;
	_ =	swait.ge @!p0 [sflag:s8], $0x0  }
0x24: {  	s3 =	sadd.s32 $0x88, s3;
	s6 =	simm.s32 @!p1 $0x1082;
	[sflag:s4] =	ssyncset.s32 $0xFFFFF086  }
0x25: {  	[simem:s6], [sflag:s4] =	dma.local [hbm:s3], $0xF7A  }
0x26: {  	[smem:$0x3F9C] =	sst s1;
	(tag) =	ssettag s2;
	_ =	strace s9  }
0x27: {  	s1 =	sld [smem:$0x3FAC]  }
0x28: {  	s2 =	sld [smem:$0x3FAD]  }
0x29: {  	s4 =	sld [smem:$0x3FAF]  }
0x2a: {  	p0 =	seq.s32 s5, $0x0;
	s5 =	sld [smem:$0x3FB0]  }
0x2b: {  	s6 =	sld [smem:$0x3FB1]  }
0x2c: {  	s7 =	sld [smem:$0x3FB2]  }
0x2d: {  	s3 =	simm.s32 $0x108;
	s8 =	sld [smem:$0x3FB3]  }
0x2e: {  	s3 =	simm.s32 @!p0 $0x1082;
	s9 =	sld [smem:$0x3FB4]  }
0x2f: {  	lr =	sadd.s32 s0, s3;
	s0 =	sld [smem:$0x3FAB]  }
0x30: {  	s3 =	sld [smem:$0x3FAE]  }
0x31: {  	[smem:$0x3FB7] =	sst s10  }
0x32: {  	s10 =	sld [smem:$0x3FB5];
	_ =	sdelay $0x3  }
0x33: {  	p0 =	seq.s32 s10, $0x1;
	s10 =	sld [smem:$0x3FB7];
	_ =	sdelay $0x3  }
0x34: {  	[smem:$0x3FB7] =	sst s10  }
0x35: {  	s10 =	sld [smem:$0x3FB6];
	_ =	sdelay $0x3  }
0x36: {  	p1 =	seq.s32 s10, $0x1;
	s10 =	sld [smem:$0x3FB7];
	_ =	sdelay $0x3  }
0x37: {  	[smem:$0x3FB7] =	sst s10  }
0x38: {  	s10 =	sld [smem:$0x3FB8]  }
0x39: {  	_ = 	snop;
	(pc) =	sbr.ind lr, $3  }
0x3a: {  	_ = 	snop  }
0x3b: {  	_ = 	snop  }
0x3c: {  	p2 =	seq.s32 s10, $0x1;
	s10 =	sld [smem:$0x3FB7]  }
0x3d: {  	_ =	shalt  }
0x3e: {  	_ =	shalt  }
0x3f: {  	_ =	shalt  }
0x40: {  	_ =	shalt  }
0x41: {  	_ =	shalt  }
0x42: {  	_ =	shalt  }
0x43: {  	_ =	shalt  }
0x44: {  	_ =	shalt  }
0x45: {  	_ =	shalt  }
0x46: {  	_ =	shalt  }
0x47: {  	_ =	shalt  }
0x48: {  	_ =	shalt  }
0x49: {  	_ =	shalt  }
0x4a: {  	_ =	shalt  }
0x4b: {  	_ =	shalt  }
0x4c: {  	_ =	shalt  }
0x4d: {  	_ =	shalt  }
0x4e: {  	_ =	shalt  }
0x4f: {  	_ =	shalt  }
0x50: {  	_ =	shalt  }
0x51: {  	_ =	shalt  }
0x52: {  	_ =	shalt  }
0x53: {  	_ =	shalt  }
0x54: {  	_ =	shalt  }
0x55: {  	_ =	shalt  }
0x56: {  	_ =	shalt  }
0x57: {  	_ =	shalt  }
0x58: {  	_ =	shalt  }
0x59: {  	_ =	shalt  }
0x5a: {  	_ =	shalt  }
0x5b: {  	_ =	shalt  }
0x5c: {  	_ =	shalt  }
0x5d: {  	_ =	shalt  }
0x5e: {  	_ =	shalt  }
0x5f: {  	_ =	shalt  }
0x60: {  	_ =	shalt  }
0x61: {  	_ =	shalt  }
0x62: {  	_ =	shalt  }
0x63: {  	_ =	shalt  }
0x64: {  	_ =	shalt  }
0x65: {  	_ =	shalt  }
0x66: {  	_ =	shalt  }
0x67: {  	_ =	shalt  }
0x68: {  	_ =	shalt  }
0x69: {  	_ =	shalt  }
0x6a: {  	_ =	shalt  }
0x6b: {  	_ =	shalt  }
0x6c: {  	_ =	shalt  }
0x6d: {  	_ =	shalt  }
0x6e: {  	_ =	shalt  }
0x6f: {  	_ =	shalt  }
0x70: {  	_ =	shalt  }
0x71: {  	_ =	shalt  }
0x72: {  	_ =	shalt  }
0x73: {  	_ =	shalt  }
0x74: {  	_ =	shalt  }
0x75: {  	_ =	shalt  }
0x76: {  	_ =	shalt  }
0x77: {  	_ =	shalt  }
0x78: {  	_ =	shalt  }
0x79: {  	_ =	shalt  }
0x7a: {  	_ =	shalt  }
0x7b: {  	_ =	shalt  }
0x7c: {  	_ =	shalt  }
0x7d: {  	_ =	shalt  }
0x7e: {  	_ =	shalt  }
0x7f: {  	_ =	shalt  }
0x80: {  	_ =	shalt  }
0x81: {  	_ =	shalt  }
0x82: {  	_ =	shalt  }
0x83: {  	_ =	shalt  }
0x84: {  	_ =	shalt  }
0x85: {  	_ =	shalt  }
0x86: {  	_ =	shalt  }
0x87: {  	_ =	shalt  }
.Lfunc_end0:
.L_simem_size_0:
called_computation_lowered:
.L_overlay_start_0:
0x88: {  	s0 =	sld [smem:$0x3FD9]  }
0x89: {  	s1 =	sld [smem:$0x3FFE];
	_ =	sdelay $0x3  }
0x8a: {  	s0 =	sadd.s32 s1, s0  }
0x8b: {  	[smem:$0x3FC3] =	sst s0  }
0x8c: {  	_ = 	snop  }
0x8d: {  	s0 =	sld [smem:$0x3FD0];
	(tm) =	ssettm $0x1  }
0x8e: {  	s16 =	sld [smem:$0x3FFB];
	_ =	sdelay $0x3  }
0x8f: {  	_ =	strace s16  }
0x90: {  	s1 =	sld [smem:$0x3FFC];
	_ =	sdelay $0x3  }
0x91: {  	_ =	strace s1  }
0x92: {  	s1 =	sld [smem:$0x3FFD];
	_ =	sdelay $0x3  }
0x93: {  	_ =	strace s1  }
0x94: {  	_ =	strace $0x8FFFFFFF  }
0x95: {  	s17 =	sld [smem:$0x3FDB];
	_ =	sdelay $0x1  }
0x96: {  	s2 =	simm.s32 $_scs_section_size  }
0x97: {  	s3 =	simm.s32 $_size__tile_overlayer_lowered;
	s4 =	simm.s32 $_tile_overlayer_lowered  }
0x98: {  	s20 =	simm.s32 $0x1BFF;
	s19 =	sshll.u32 s4, $0x1;
	s1 =	sadd.s32 s2, s17  }
0x99: {  	s5 =	simm.s32 $0x0;
	s18 =	sshll.u32 s3, $0x1;
	s3 =	sadd.s32 s19, s1  }
0x9a: {  	[timem:s5], [sflag:s20] =	dma.local [hbm:s3], s18  }
0x9b: {  	_ =	swait.ge [sflag:s20], s18  }
0x9c: {  	s2 =	ssub.s32 $0x0, s18;
	[sflag:s20] =	ssyncset.done $0x0  }
0x9d: {  	[sflag:s20] =	ssyncadd.s32 s2;
	_ =	sdelay $0x1  }
0x9e: {  	s21 =	simm.s32 $0x1B8B  }
0x9f: {  	_ =	swait.ge [sflag:s21], $0x1  }
0xa0: {  	[sflag:s21] =	ssyncset.done $0x0  }
0xa1: {  	s23 =	simm.s32 $0x1B8E;
	s22 =	sld [smem:$0x3FFE];
	[sflag:s21] =	ssyncadd.s32 $0xFFFFFFFF  }
0xa2: {  	s24 =	simm.s32 $execute0_lowered;
	[smem:$0x3FD2] =	sst s23  }
0xa3: {  	s3 =	sshll.u32 s24, $0x1;
	_ =	strace $0x80000046;
	[dreg:$0x1] =	wrdreg $0xFFFFFFFF  }
0xa4: {  	s25 =	simm.s32 $_size_execute0_lowered;
	s1 =	sadd.s32 s1, s3;
	[dreg:$0x0] =	wrdreg $0x0  }
0xa5: {  	s3 =	sshll.u32 s25, $0x1;
	[dreg:$0x2] =	wrdreg s1  }
0xa6: {  	[dreg:$0x3] =	wrdreg s3  }
0xa7: {  	[dreg:$0x4] =	wrdreg $0xC0  }
0xa8: {  	_ =	task [dreg:s5], $0x5FFFF  }
0xa9: {  	[dreg:$0x1] =	wrdreg $0xFFFFFFFF  }
0xaa: {  	[dreg:$0x0] =	wrdreg $0x60  }
0xab: {  	[dreg:$0x2] =	wrdreg s22  }
0xac: {  	[dreg:$0x3] =	wrdreg s0  }
0xad: {  	[dreg:$0x4] =	wrdreg $0x9  }
0xae: {  	_ =	task.clear_ibuf [dreg:s5], $0x5FFFF;
	_ =	strace $0x90000046  }
0xaf: {  	s26 =	simm.s32 $0x9;
	_ =	strace $0x80000048  }
0xb0: {  	_ =	swait.ge [sflag:s26], $0x1  }
0xb1: {  	[sflag:s26] =	ssyncadd.s32 $0xFFFFFFFF  }
0xb2: {  	_ =	strace $0x90000048  }
0xb3: {  	_ =	sfence  }
0xb4: {  	s28 =	sld [smem:$0x0];
	_ =	sdelay $0x1  }
0xb5: {  	s29 =	srdreg.scid  }
0xb6: {  	s30 =	sshll.u32 s29, $0xD;
	s31 =	sshrl.u32 s29, $0x2  }
0xb7: {  	s2 =	sand.u32 $0x4000, s30;
	s1 =	sand.u32 $0x1, s29;
	s0 =	sadd.s32 s31, s28  }
0xb8: {  	s1 =	sor.u32 s2, s1;
	s0 =	sshll.u32 s0, $0x11  }
0xb9: {  	s0 =	sor.u32 s0, s1  }
0xba: {  	s0 =	sadd.s32 $0x8F2B, s0  }
0xbb: {  	[sflag:s0] =	ssyncadd.remote.s32 $0x1  }
0xbc: {  	_ =	sfence.sel $0xFFFF  }
0xbd: {  	[dreg:$0x0] =	wrdreg $0xFFFFFFFF;
	(pc) =	sbr.abs _section_cstart, $3  }
0xbe: {  	[dreg:$0x1] =	wrdreg $0xFFFFFFFF  }
0xbf: {  	_ =	task.clear_ibuf [dreg:s5], $0x2FFFF;
	_ =	strace $0x9FFFFFFF  }
0xc0: {  	(tm) =	ssettm $0x7FFFFFFF  }
0xc1: {  	_ =	shalt  }
tec
execute0_lowered:
.L_overlay_start_1:
0x0: {  	(tag) =	ssettag $0x1  }
0x1: {  	s5 =	rddreg [dreg:$0x0]  }
0x2: {  	s6 =	rddreg [dreg:$0x1]  }
0x3: {  	s0 =	rddreg [dreg:$0x2];
	_ =	strace $0x80000047;
	s7 =	stileid.u32  }
0x4: {  	s3 =	simm.s32 $0x3E;
	s1 =	sadd.s32 $0x200, s5;
	p0 =	sne.s32 s7, $0x0  }
0x5: {  	[sflag:s3] =	ssyncpa.u1 $0x0;
	s4 =	simm.s32 @!p0 $0x1C3E;
	s2 =	simm.s32 @!p0 $0x0  }
0x6: {  	[spmem:s2], [sflag:s4] =	dma.local @!p0 [hbm:s1], $0x10  }
0x7: {  	s4 =	simm.s32 @!p0 $0x3E  }
0x8: {  	_ =	swait.ge @!p0 [sflag:s4], $0x10  }
0x9: {  	[sflag:s4] =	ssyncset.done @!p0 $0x0  }
0xa: {  	[sflag:s4] =	ssyncadd.s32 @!p0 $0xFFFFFFF0  }
0xb: {  	s9 =	simm.s32 $0x108;
	s8 =	sadd.s32 $0x400, s5;
	[bflag:$0x0] =	sbarrier.arrive $0xFFFF  }
0xc: {  	s7 =	sshll.u32 s7, $0x5;
	[sflag:s3] =	ssyncpa.u1 $0x1;
	s3 =	simm.s32 $0x1  }
0xd: {  	s5 =	simm.s32 $0x0;
	s4 =	simm.s32 $0x2;
	[sflag:s3] =	ssyncpa.u1 $0x0  }
0xe: {  	s6 =	sadd.s32 s6, s7;
	(ifvalue) =	ssetifvalue $0x80;
	[sflag:s4] =	ssyncpa.u1 $0x0  }
0xf: {  	[tilespmem:s9], [sflag:$0x2] =	stream.linear.gather [hbm4b:s6+s5], $0x100, $0x38;
	[tilespmem:$0x408] =	vst v63  }
0x10: {  	s23 =	simm.s32 $0x308;
	s22 =	sadd.s32 s8, s7  }
0x11: {  	[tilespmem:s23], [sflag:$0x2] =	stream.linear.gather [hbm4b:s22+s5], $0x100, $0x38;
	[tilespmem:$0x408] =	vst v63  }
0x12: {  	_ =	swait.ge [sflag:s4], $0x200  }
0x13: {  	[sflag:s4] =	ssyncset.done $0x0  }
0x14: {  	[sflag:s4] =	ssyncadd.s32 $0xFFFFFE00  }
0x15: {  	v0 =	vld.msk [tilespmem:s9+$0x0 ss:$0x1], $0xffff;
	_ =	sdelay $0x4  }
0x16: {  	v0 =	vmin.u32 v0, $0x80;
	_ =	sdelay $0x3  }
0x17: {  	vm0 =	vmmov $0xffff;
	s24 =	simm.s32 $0x118  }
0x18: {  	[spmem:s5] =	stream.indirect_vreg.scatter.add.s32 [tilespmem:s23], [sflag:$0x1], $0x1, v0, vm0, $0x4038;
	[tilespmem:$0x408] =	vst v63  }
0x19: {  	v0 =	vld.msk [tilespmem:s24+$0x0 ss:$0x1], $0xffff;
	_ =	sdelay $0x4  }
0x1a: {  	v0 =	vmin.u32 v0, $0x80;
	_ =	sdelay $0x3  }
0x1b: {  	s25 =	simm.s32 $0x318;
	s26 =	simm.s32 $0x128  }
0x1c: {  	[spmem:s5] =	stream.indirect_vreg.scatter.add.s32 [tilespmem:s25], [sflag:$0x1], $0x1, v0, vm0, $0x4038;
	[tilespmem:$0x408] =	vst v63  }
0x1d: {  	v0 =	vld.msk [tilespmem:s26+$0x0 ss:$0x1], $0xffff;
	_ =	sdelay $0x4  }
0x1e: {  	v0 =	vmin.u32 v0, $0x80;
	_ =	sdelay $0x3  }
0x1f: {  	s28 =	simm.s32 $0x328;
	s29 =	simm.s32 $0x138  }
0x20: {  	[spmem:s5] =	stream.indirect_vreg.scatter.add.s32 [tilespmem:s28], [sflag:$0x1], $0x1, v0, vm0, $0x4038;
	[tilespmem:$0x408] =	vst v63  }
0x21: {  	v0 =	vld.msk [tilespmem:s29+$0x0 ss:$0x1], $0xffff;
	_ =	sdelay $0x4  }
0x22: {  	v0 =	vmin.u32 v0, $0x80;
	_ =	sdelay $0x3  }
0x23: {  	s30 =	simm.s32 $0x338;
	s31 =	simm.s32 $0x148  }
0x24: {  	[spmem:s5] =	stream.indirect_vreg.scatter.add.s32 [tilespmem:s30], [sflag:$0x1], $0x1, v0, vm0, $0x4038;
	[tilespmem:$0x408] =	vst v63  }
0x25: {  	v0 =	vld.msk [tilespmem:s31+$0x0 ss:$0x1], $0xffff;
	_ =	sdelay $0x4  }
0x26: {  	v0 =	vmin.u32 v0, $0x80;
	_ =	sdelay $0x3  }
0x27: {  	s7 =	simm.s32 $0x348;
	s8 =	simm.s32 $0x158  }
0x28: {  	[spmem:s5] =	stream.indirect_vreg.scatter.add.s32 [tilespmem:s7], [sflag:$0x1], $0x1, v0, vm0, $0x4038;
	[tilespmem:$0x408] =	vst v63  }
0x29: {  	v0 =	vld.msk [tilespmem:s8+$0x0 ss:$0x1], $0xffff;
	_ =	sdelay $0x4  }
0x2a: {  	v0 =	vmin.u32 v0, $0x80;
	_ =	sdelay $0x3  }
0x2b: {  	s10 =	simm.s32 $0x168;
	s9 =	simm.s32 $0x358  }
0x2c: {  	[spmem:s5] =	stream.indirect_vreg.scatter.add.s32 [tilespmem:s9], [sflag:$0x1], $0x1, v0, vm0, $0x4038;
	[tilespmem:$0x408] =	vst v63  }
0x2d: {  	v0 =	vld.msk [tilespmem:s10+$0x0 ss:$0x1], $0xffff;
	_ =	sdelay $0x4  }
0x2e: {  	v0 =	vmin.u32 v0, $0x80;
	_ =	sdelay $0x3  }
0x2f: {  	s11 =	simm.s32 $0x368;
	s12 =	simm.s32 $0x178  }
0x30: {  	[spmem:s5] =	stream.indirect_vreg.scatter.add.s32 [tilespmem:s11], [sflag:$0x1], $0x1, v0, vm0, $0x4038;
	[tilespmem:$0x408] =	vst v63  }
0x31: {  	v0 =	vld.msk [tilespmem:s12+$0x0 ss:$0x1], $0xffff;
	_ =	sdelay $0x4  }
0x32: {  	v0 =	vmin.u32 v0, $0x80;
	_ =	sdelay $0x3  }
0x33: {  	s13 =	simm.s32 $0x378;
	s14 =	simm.s32 $0x188  }
0x34: {  	[spmem:s5] =	stream.indirect_vreg.scatter.add.s32 [tilespmem:s13], [sflag:$0x1], $0x1, v0, vm0, $0x4038;
	[tilespmem:$0x408] =	vst v63  }
0x35: {  	v0 =	vld.msk [tilespmem:s14+$0x0 ss:$0x1], $0xffff;
	_ =	sdelay $0x4  }
0x36: {  	v0 =	vmin.u32 v0, $0x80;
	_ =	sdelay $0x3  }
0x37: {  	s15 =	simm.s32 $0x388;
	s16 =	simm.s32 $0x198  }
0x38: {  	[spmem:s5] =	stream.indirect_vreg.scatter.add.s32 [tilespmem:s15], [sflag:$0x1], $0x1, v0, vm0, $0x4038;
	[tilespmem:$0x408] =	vst v63  }
0x39: {  	v0 =	vld.msk [tilespmem:s16+$0x0 ss:$0x1], $0xffff;
	_ =	sdelay $0x4  }
0x3a: {  	v0 =	vmin.u32 v0, $0x80;
	_ =	sdelay $0x3  }
0x3b: {  	s17 =	simm.s32 $0x398;
	s18 =	simm.s32 $0x1A8  }
0x3c: {  	[spmem:s5] =	stream.indirect_vreg.scatter.add.s32 [tilespmem:s17], [sflag:$0x1], $0x1, v0, vm0, $0x4038;
	[tilespmem:$0x408] =	vst v63  }
0x3d: {  	v0 =	vld.msk [tilespmem:s18+$0x0 ss:$0x1], $0xffff;
	_ =	sdelay $0x4  }
0x3e: {  	v0 =	vmin.u32 v0, $0x80;
	_ =	sdelay $0x3  }
0x3f: {  	s19 =	simm.s32 $0x3A8;
	s20 =	simm.s32 $0x1B8  }
0x40: {  	[spmem:s5] =	stream.indirect_vreg.scatter.add.s32 [tilespmem:s19], [sflag:$0x1], $0x1, v0, vm0, $0x4038;
	[tilespmem:$0x408] =	vst v63  }
0x41: {  	v0 =	vld.msk [tilespmem:s20+$0x0 ss:$0x1], $0xffff;
	_ =	sdelay $0x4  }
0x42: {  	v0 =	vmin.u32 v0, $0x80;
	_ =	sdelay $0x3  }
0x43: {  	s21 =	simm.s32 $0x3B8;
	s22 =	simm.s32 $0x1C8  }
0x44: {  	[spmem:s5] =	stream.indirect_vreg.scatter.add.s32 [tilespmem:s21], [sflag:$0x1], $0x1, v0, vm0, $0x4038;
	[tilespmem:$0x408] =	vst v63  }
0x45: {  	v0 =	vld.msk [tilespmem:s22+$0x0 ss:$0x1], $0xffff;
	_ =	sdelay $0x4  }
0x46: {  	v0 =	vmin.u32 v0, $0x80;
	_ =	sdelay $0x3  }
0x47: {  	s23 =	simm.s32 $0x3C8;
	s24 =	simm.s32 $0x1D8  }
0x48: {  	[spmem:s5] =	stream.indirect_vreg.scatter.add.s32 [tilespmem:s23], [sflag:$0x1], $0x1, v0, vm0, $0x4038;
	[tilespmem:$0x408] =	vst v63  }
0x49: {  	v0 =	vld.msk [tilespmem:s24+$0x0 ss:$0x1], $0xffff;
	_ =	sdelay $0x4  }
0x4a: {  	v0 =	vmin.u32 v0, $0x80;
	_ =	sdelay $0x3  }
0x4b: {  	s25 =	simm.s32 $0x3D8;
	s26 =	simm.s32 $0x1E8  }
0x4c: {  	[spmem:s5] =	stream.indirect_vreg.scatter.add.s32 [tilespmem:s25], [sflag:$0x1], $0x1, v0, vm0, $0x4038;
	[tilespmem:$0x408] =	vst v63  }
0x4d: {  	v0 =	vld.msk [tilespmem:s26+$0x0 ss:$0x1], $0xffff;
	_ =	sdelay $0x4  }
0x4e: {  	v0 =	vmin.u32 v0, $0x80;
	_ =	sdelay $0x3  }
0x4f: {  	s28 =	simm.s32 $0x3E8;
	s29 =	simm.s32 $0x1F8  }
0x50: {  	[spmem:s5] =	stream.indirect_vreg.scatter.add.s32 [tilespmem:s28], [sflag:$0x1], $0x1, v0, vm0, $0x4038;
	[tilespmem:$0x408] =	vst v63  }
0x51: {  	v0 =	vld.msk [tilespmem:s29+$0x0 ss:$0x1], $0xffff;
	_ =	sdelay $0x4  }
0x52: {  	v0 =	vmin.u32 v0, $0x80;
	_ =	sdelay $0x3  }
0x53: {  	s30 =	simm.s32 $0x3F8  }
0x54: {  	[spmem:s5] =	stream.indirect_vreg.scatter.add.s32 [tilespmem:s30], [sflag:$0x1], $0x1, v0, vm0, $0x4038;
	[tilespmem:$0x408] =	vst v63  }
0x55: {  	_ =	swait.ge [sflag:s3], $0x100  }
0x56: {  	[sflag:s3] =	ssyncset.done $0x0  }
0x57: {  	[sflag:s3] =	ssyncadd.s32 $0xFFFFFF00  }
0x58: {  	_ =	sfence.sel $0x180000  }
0x59: {  	[bflag:$0x0] =	sbarrier.arrive $0xFFFF  }
0x5a: {  	[sflag:s4] =	ssyncpa.u1 $0x1  }
0x5b: {  	[sflag:s3] =	ssyncpa.u1 $0x1  }
0x5c: {  	_ =	sfence.stream.spmem  }
0x5d: {  	s31 =	simm.s32 $0x3D;
	[bflag:$0x0] =	sbarrier.arrive $0xFFFF  }
0x5e: {  	s3 =	simm.s32 @p0 $0x3D;
	[sflag:s31] =	ssyncpa.u1 $0x0  }
0x5f: {  	[sflag:s3] =	ssyncpa.u1 @p0 $0x1  }
0x60: {  	[bflag:$0x0] =	sbarrier.arrive @p0 $0xFFFF  }
0x61: {  	_ =	strace @p0 $0x90000047  }
0x62: {  	s3 =	simm.s32 @!p0 $0x1C3D;
	[bflag:$0x2] =	sbarrier.arrive @p0 $0xFFFF  }
0x63: {  	[hbm:s1], [sflag:s3] =	dma.local @!p0 [spmem:s2], $0x10  }
0x64: {  	s1 =	simm.s32 @!p0 $0x3D  }
0x65: {  	_ =	swait.ge @!p0 [sflag:s1], $0x10  }
0x66: {  	[sflag:s1] =	ssyncset.done @!p0 $0x0  }
0x67: {  	[sflag:s1] =	ssyncadd.s32 @!p0 $0xFFFFFFF0  }
0x68: {  	[sflag:s1] =	ssyncpa.u1 @!p0 $0x1  }
0x69: {  	[bflag:$0x0] =	sbarrier.arrive @!p0 $0xFFFF  }
0x6a: {  	_ =	strace @!p0 $0x90000047  }
0x6b: {  	s0 =	sadd.s32 @!p0 $0x100000, s0;
	[bflag:$0x2] =	sbarrier.arrive @!p0 $0xFFFF  }
0x6c: {  	[sflag:s0] =	ssyncadd.tile.s32 @!p0 $0x1;
	_ =	shalt  }
.Lfunc_end2:
_tile_overlayer_lowered:
.L_overlay_start_2:
0x6d: {  	(tag) =	ssettag $0x2  }
0x6e: {  	s0 =	rddreg [dreg:$0x0];
	s2 =	stileid.u32  }
0x6f: {  	s1 =	rddreg [dreg:$0x1];
	p0 =	sne.s32 s2, $0x0  }
0x70: {  	s3 =	rddreg [dreg:$0x2];
	[bflag:$0x3] =	sbarrier.arrive $0xFFFF;
	s2 =	simm.s32 @!p0 $0x1C01  }
0x71: {  	[timem:s3], [sflag:s2] =	dma.local @!p0 [hbm:s0], s1  }
0x72: {  	s0 =	simm.s32 @!p0 $0x1  }
0x73: {  	_ =	swait.ge @!p0 [sflag:s0], s1  }
0x74: {  	s1 =	ssub.s32 @!p0 $0x0, s1;
	[sflag:s0] =	ssyncset.done @!p0 $0x0  }
0x75: {  	[sflag:s0] =	ssyncadd.s32 @!p0 s1  }
0x76: {  	[bflag:$0x3] =	sbarrier.arrive $0xFFFF  }
0x77: {  	_ =	shalt  }

</sc_bundles>
